<compile_context>
chip_gen: v7x
topology: tpu7x:2x2x1
jax: 0.10.2.dev20260603
libtpu: 0.0.44.dev20260713+nightly
codegen_flags: <defaults>
</compile_context>

<pallas_src>
import functools

import jax
import jax.numpy as jnp
from jax import lax
from jax.experimental import pallas as pl
from jax.experimental.pallas import tpu as pltpu
from jax.experimental.pallas import tpu_sc as plsc

EMBED_DIM = 128
NUM_ROWS = 256
BATCH = 16384
IDX_CHUNK = 128


@functools.cache
def _build_gather():
    info = plsc.get_sparse_core_info()
    num_cores, num_subcores = info.num_cores, info.num_subcores
    num_workers = num_cores * num_subcores
    b_per_w = BATCH // num_workers
    n_chunks = b_per_w // IDX_CHUNK
    mesh = plsc.VectorSubcoreMesh(core_axis_name="c", subcore_axis_name="s")

    @functools.partial(
        pl.kernel,
        mesh=mesh,
        out_type=jax.ShapeDtypeStruct((BATCH, EMBED_DIM), jnp.float32),
        scratch_types=[
            pltpu.VMEM((n_chunks, IDX_CHUNK), jnp.int32),
            pltpu.VMEM((b_per_w, EMBED_DIM), jnp.float32),
            pltpu.VMEM_SHARED((NUM_ROWS, EMBED_DIM), jnp.float32),
            pltpu.SemaphoreType.DMA((n_chunks,)),
            pltpu.SemaphoreType.DMA,
            pltpu.SemaphoreType.DMA,
        ],
    )
    def gather_kernel(t0_hbm, t1_hbm, t2_hbm, idx_hbm, out_hbm,
                      idx_v, rows_v, table_sh, gsem, wsem, tsem):
        wid = lax.axis_index("s") * num_cores + lax.axis_index("c")

        pltpu.sync_copy(idx_hbm.at[wid], idx_v)

        @pl.when(lax.axis_index("s") == 0)
        def _load_table():
            tier_copies = [
                pltpu.async_copy(t0_hbm, table_sh.at[pl.ds(0, 16)], tsem),
                pltpu.async_copy(t1_hbm, table_sh.at[pl.ds(16, 112)], tsem),
                pltpu.async_copy(t2_hbm, table_sh.at[pl.ds(128, 128)], tsem),
            ]
            for c in tier_copies:
                c.wait()

        plsc.subcore_barrier()

        gathers = [
            pltpu.async_copy(
                table_sh.at[idx_v.at[j]],
                rows_v.at[pl.ds(j * IDX_CHUNK, IDX_CHUNK)],
                gsem.at[j],
            )
            for j in range(n_chunks)
        ]
        writes = []
        for j in range(n_chunks):
            gathers[j].wait()
            writes.append(
                pltpu.async_copy(
                    rows_v.at[pl.ds(j * IDX_CHUNK, IDX_CHUNK)],
                    out_hbm.at[pl.ds(wid * b_per_w + j * IDX_CHUNK, IDX_CHUNK)],
                    wsem,
                )
            )
        for w in writes:
            w.wait()

    return gather_kernel, num_workers, n_chunks


def kernel(indices, tier0, tier1, tier2):
    gather, num_workers, n_chunks = _build_gather()
    idx = indices.astype(jnp.int32).reshape(num_workers, n_chunks, IDX_CHUNK)
    return gather(tier0, tier1, tier2, idx)

# --- scband reference (transcript-rebuilt; emitter-appended) ---
"""Pipeline reference for scband-cascaded-codebook-36816459661785 (READ-ONLY COPY).

The authoritative reference and input builder live on the scoring server;
editing this copy changes nothing except your own understanding.
"""

import jax, jax.numpy as jnp
import numpy as np

EMBED_DIM = 128
TIER0 = 16
TIER1 = 112
TIER2 = 128
TOTAL = TIER0 + TIER1 + TIER2
BATCH = 16384


def setup_inputs(seed: int = 0) -> dict:
    key = jax.random.key(seed)
    k0, k1, k2, ki = jax.random.split(key, 4)
    tier0 = jax.random.normal(k0, (TIER0, EMBED_DIM), dtype=jnp.float32)
    tier1 = jax.random.normal(k1, (TIER1, EMBED_DIM), dtype=jnp.float32)
    tier2 = jax.random.normal(k2, (TIER2, EMBED_DIM), dtype=jnp.float32)
    indices = jax.random.randint(ki, (BATCH,), 0, TOTAL, dtype=jnp.int64 if jax.config.jax_enable_x64 else jnp.int32)
    return {"indices": indices, "tier0": tier0, "tier1": tier1, "tier2": tier2}


def reference(indices, tier0, tier1, tier2):
    # CascadedCodebook.lookup_batch:
    #   global index 0..15   -> tier0 (frozen)
    #   global index 16..127 -> tier1 (frozen)
    #   global index 128..255-> tier2 (trainable)
    #   out-of-range index   -> zero vector
    # Concatenating the tiers in index order gives the full lookup table,
    # since layer.indices are contiguous arange ranges and local_index = global - offset.
    table = jnp.concatenate([tier0, tier1, tier2], axis=0)  # [256, D]
    valid = (indices >= 0) & (indices < table.shape[0])
    safe_idx = jnp.clip(indices, 0, table.shape[0] - 1)
    gathered = jnp.take(table, safe_idx, axis=0)  # [B, D]
    out = jnp.where(valid[:, None], gathered, jnp.zeros_like(gathered))
    return out

if __name__ == "__main__":
    import jax
    _d = setup_inputs()
    print(jax.jit(kernel)(*tuple(_d.values())))

</pallas_src>

<mosaic_0001>
#map = affine_map<(d0, d1) -> (0, 0)>
#map1 = affine_map<(d0, d1) -> (0, 0, 0)>
module attributes {stable_mosaic.version = 14 : i64} {
  func.func @gather_kernel(%arg0: i32, %arg1: i32, %arg2: memref<16x128xf32, #tpu.memory_space<hbm>>, %arg3: memref<112x128xf32, #tpu.memory_space<hbm>>, %arg4: memref<128x128xf32, #tpu.memory_space<hbm>>, %arg5: memref<32x4x128xi32, #tpu.memory_space<hbm>>, %arg6: memref<16384x128xf32, #tpu.memory_space<hbm>>, %arg7: memref<4x128xi32, #tpu.memory_space<vmem>>, %arg8: memref<512x128xf32, #tpu.memory_space<vmem>>, %arg9: memref<256x128xf32, #tpu.memory_space<vmem_shared>>, %arg10: memref<4x!tpu.dma_semaphore, #tpu.memory_space<semaphore_mem>>, %arg11: memref<!tpu.dma_semaphore, #tpu.memory_space<semaphore_mem>>, %arg12: memref<!tpu.dma_semaphore, #tpu.memory_space<semaphore_mem>>) attributes {dimension_semantics = [#tpu.dimension_semantics<core_parallel>, #tpu.dimension_semantics<subcore_parallel>], iteration_bounds = array<i64: 2, 16>, scalar_prefetch = 0 : i64, scratch_operands = 6 : i64, tpu.core_type = #tpu.core_type<sc_vector_subcore>, window_params = [{transform_indices = #map}, {transform_indices = #map}, {transform_indices = #map}, {transform_indices = #map1}, {transform_indices = #map}]} {
    %mul3A = arith.constant 2 : i32
    %mul3A_0 = arith.muli %arg1, %mul3A : i32
    %add3A = arith.addi %mul3A_0, %arg0 : i32
    "tpu.region"() ({
      %run_scoped3A = tpu.sem_alloc : memref<!tpu.dma_semaphore, #tpu.memory_space<semaphore_mem>>
      %dma_start3A_201 = arith.constant 0 : i32
      %dma_start3A_202 = arith.constant 0 : i32
      %dma_start3A_203 = tpu.memref_slice %arg5[%add3A, %dma_start3A_201, %dma_start3A_202] : memref<32x4x128xi32, #tpu.memory_space<hbm>> -> memref<1x4x128xi32, #tpu.memory_space<hbm>>
      %dma_start3A_204 = tpu.memref_squeeze %dma_start3A_203 : memref<1x4x128xi32, #tpu.memory_space<hbm>> -> memref<4x128xi32, #tpu.memory_space<hbm>>
      %dma_start3A_205 = arith.constant 0 : i32
      %dma_start3A_206 = arith.constant 0 : i32
      %dma_start3A_207 = tpu.memref_slice %arg5[%add3A, %dma_start3A_205, %dma_start3A_206] : memref<32x4x128xi32, #tpu.memory_space<hbm>> -> memref<1x4x128xi32, #tpu.memory_space<hbm>>
      %dma_start3A_208 = tpu.memref_squeeze %dma_start3A_207 : memref<1x4x128xi32, #tpu.memory_space<hbm>> -> memref<4x128xi32, #tpu.memory_space<hbm>>
      tpu.enqueue_dma source(%dma_start3A_208 : memref<4x128xi32, #tpu.memory_space<hbm>>) target(%arg7 : memref<4x128xi32, #tpu.memory_space<vmem>>) target_semaphore(%run_scoped3A : memref<!tpu.dma_semaphore, #tpu.memory_space<semaphore_mem>>)
      %dma_wait3A_209 = arith.constant 0 : i32
      %dma_wait3A_210 = arith.constant 0 : i32
      %dma_wait3A_211 = tpu.memref_slice %arg5[%add3A, %dma_wait3A_209, %dma_wait3A_210] : memref<32x4x128xi32, #tpu.memory_space<hbm>> -> memref<1x4x128xi32, #tpu.memory_space<hbm>>
      %dma_wait3A_212 = tpu.memref_squeeze %dma_wait3A_211 : memref<1x4x128xi32, #tpu.memory_space<hbm>> -> memref<4x128xi32, #tpu.memory_space<hbm>>
      %dma_wait3A_213 = arith.constant 0 : i32
      %dma_wait3A_214 = arith.constant 0 : i32
      %dma_wait3A_215 = tpu.memref_slice %arg5[%add3A, %dma_wait3A_213, %dma_wait3A_214] : memref<32x4x128xi32, #tpu.memory_space<hbm>> -> memref<1x4x128xi32, #tpu.memory_space<hbm>>
      %dma_wait3A_216 = tpu.memref_squeeze %dma_wait3A_215 : memref<1x4x128xi32, #tpu.memory_space<hbm>> -> memref<4x128xi32, #tpu.memory_space<hbm>>
      tpu.wait_dma2 semaphore(%run_scoped3A : memref<!tpu.dma_semaphore, #tpu.memory_space<semaphore_mem>>) src(%dma_wait3A_216 : memref<4x128xi32, #tpu.memory_space<hbm>>) dst(%arg7 : memref<4x128xi32, #tpu.memory_space<vmem>>)
      tpu.yield
    }) : () -> ()
    %eq3A = arith.constant 0 : i32
    %eq3A_1 = arith.cmpi eq, %arg1, %eq3A : i32
    %convert_element_type3A = arith.extui %eq3A_1 : i1 to i32
    %cond3A = arith.constant 0 : i32
    %cond3A_2 = arith.cmpi ne, %convert_element_type3A, %cond3A : i32
    scf.if %cond3A_2 {
      %dma_start3A_201 = arith.constant 0 : i32
      %dma_start3A_202 = arith.constant 0 : i32
      %dma_start3A_203 = tpu.memref_slice %arg9[%dma_start3A_201, %dma_start3A_202] : memref<256x128xf32, #tpu.memory_space<vmem_shared>> -> memref<16x128xf32, #tpu.memory_space<vmem_shared>>
      tpu.enqueue_dma source(%arg2 : memref<16x128xf32, #tpu.memory_space<hbm>>) target(%dma_start3A_203 : memref<16x128xf32, #tpu.memory_space<vmem_shared>>) target_semaphore(%arg12 : memref<!tpu.dma_semaphore, #tpu.memory_space<semaphore_mem>>)
      %dma_start3A_204 = arith.constant 16 : i32
      %dma_start3A_205 = arith.constant 0 : i32
      %dma_start3A_206 = tpu.memref_slice %arg9[%dma_start3A_204, %dma_start3A_205] : memref<256x128xf32, #tpu.memory_space<vmem_shared>> -> memref<112x128xf32, #tpu.memory_space<vmem_shared>>
      tpu.enqueue_dma source(%arg3 : memref<112x128xf32, #tpu.memory_space<hbm>>) target(%dma_start3A_206 : memref<112x128xf32, #tpu.memory_space<vmem_shared>>) target_semaphore(%arg12 : memref<!tpu.dma_semaphore, #tpu.memory_space<semaphore_mem>>)
      %dma_start3A_207 = arith.constant 128 : i32
      %dma_start3A_208 = arith.constant 0 : i32
      %dma_start3A_209 = tpu.memref_slice %arg9[%dma_start3A_207, %dma_start3A_208] : memref<256x128xf32, #tpu.memory_space<vmem_shared>> -> memref<128x128xf32, #tpu.memory_space<vmem_shared>>
      tpu.enqueue_dma source(%arg4 : memref<128x128xf32, #tpu.memory_space<hbm>>) target(%dma_start3A_209 : memref<128x128xf32, #tpu.memory_space<vmem_shared>>) target_semaphore(%arg12 : memref<!tpu.dma_semaphore, #tpu.memory_space<semaphore_mem>>)
      %dma_wait3A_210 = arith.constant 0 : i32
      %dma_wait3A_211 = arith.constant 0 : i32
      %dma_wait3A_212 = tpu.memref_slice %arg9[%dma_wait3A_210, %dma_wait3A_211] : memref<256x128xf32, #tpu.memory_space<vmem_shared>> -> memref<16x128xf32, #tpu.memory_space<vmem_shared>>
      tpu.wait_dma2 semaphore(%arg12 : memref<!tpu.dma_semaphore, #tpu.memory_space<semaphore_mem>>) src(%arg2 : memref<16x128xf32, #tpu.memory_space<hbm>>) dst(%dma_wait3A_212 : memref<16x128xf32, #tpu.memory_space<vmem_shared>>)
      %dma_wait3A_213 = arith.constant 16 : i32
      %dma_wait3A_214 = arith.constant 0 : i32
      %dma_wait3A_215 = tpu.memref_slice %arg9[%dma_wait3A_213, %dma_wait3A_214] : memref<256x128xf32, #tpu.memory_space<vmem_shared>> -> memref<112x128xf32, #tpu.memory_space<vmem_shared>>
      tpu.wait_dma2 semaphore(%arg12 : memref<!tpu.dma_semaphore, #tpu.memory_space<semaphore_mem>>) src(%arg3 : memref<112x128xf32, #tpu.memory_space<hbm>>) dst(%dma_wait3A_215 : memref<112x128xf32, #tpu.memory_space<vmem_shared>>)
      %dma_wait3A_216 = arith.constant 128 : i32
      %dma_wait3A_217 = arith.constant 0 : i32
      %dma_wait3A_218 = tpu.memref_slice %arg9[%dma_wait3A_216, %dma_wait3A_217] : memref<256x128xf32, #tpu.memory_space<vmem_shared>> -> memref<128x128xf32, #tpu.memory_space<vmem_shared>>
      tpu.wait_dma2 semaphore(%arg12 : memref<!tpu.dma_semaphore, #tpu.memory_space<semaphore_mem>>) src(%arg4 : memref<128x128xf32, #tpu.memory_space<hbm>>) dst(%dma_wait3A_218 : memref<128x128xf32, #tpu.memory_space<vmem_shared>>)
    } else {
    }
    %barrier3A = arith.constant 0 : index
    tpu.barrier barrier_id(%barrier3A)
    %dma_start3A = arith.constant 0 : i32
    %dma_start3A_3 = arith.constant 0 : i32
    %dma_start3A_4 = arith.constant 0 : i32
    %dma_start3A_5 = arith.constant 0 : i32
    %dma_start3A_6 = tpu.memref_slice %arg8[%dma_start3A_4, %dma_start3A_5] : memref<512x128xf32, #tpu.memory_space<vmem>> -> memref<128x128xf32, #tpu.memory_space<vmem>>
    %dma_start3A_7 = arith.constant 0 : i32
    %dma_start3A_8 = tpu.memref_slice %arg7[%dma_start3A, %dma_start3A_7] : memref<4x128xi32, #tpu.memory_space<vmem>> -> memref<1x128xi32, #tpu.memory_space<vmem>>
    %dma_start3A_9 = tpu.memref_squeeze %dma_start3A_8 : memref<1x128xi32, #tpu.memory_space<vmem>> -> memref<128xi32, #tpu.memory_space<vmem>>
    %dma_start3A_10 = arith.constant 0 : i32
    %dma_start3A_11 = arith.constant 0 : i32
    %dma_start3A_12 = tpu.memref_slice %arg9[%dma_start3A_10, %dma_start3A_11] : memref<256x128xf32, #tpu.memory_space<vmem_shared>> -> memref<256x128xf32, #tpu.memory_space<vmem_shared>>
    %dma_start3A_13 = tpu.memref_slice %arg10[%dma_start3A_3] : memref<4x!tpu.dma_semaphore, #tpu.memory_space<semaphore_mem>> -> memref<1x!tpu.dma_semaphore, #tpu.memory_space<semaphore_mem>>
    %dma_start3A_14 = tpu.memref_squeeze %dma_start3A_13 : memref<1x!tpu.dma_semaphore, #tpu.memory_space<semaphore_mem>> -> memref<!tpu.dma_semaphore, #tpu.memory_space<semaphore_mem>>
    tpu.enqueue_indirect_dma source(%dma_start3A_12 : memref<256x128xf32, #tpu.memory_space<vmem_shared>>) target(%dma_start3A_6 : memref<128x128xf32, #tpu.memory_space<vmem>>) offsets(%dma_start3A_9 : memref<128xi32, #tpu.memory_space<vmem>>) semaphore(%dma_start3A_14 : memref<!tpu.dma_semaphore, #tpu.memory_space<semaphore_mem>>)
    %dma_start3A_15 = arith.constant 1 : i32
    %dma_start3A_16 = arith.constant 1 : i32
    %dma_start3A_17 = arith.constant 128 : i32
    %dma_start3A_18 = arith.constant 0 : i32
    %dma_start3A_19 = tpu.memref_slice %arg8[%dma_start3A_17, %dma_start3A_18] : memref<512x128xf32, #tpu.memory_space<vmem>> -> memref<128x128xf32, #tpu.memory_space<vmem>>
    %dma_start3A_20 = arith.constant 0 : i32
    %dma_start3A_21 = tpu.memref_slice %arg7[%dma_start3A_15, %dma_start3A_20] : memref<4x128xi32, #tpu.memory_space<vmem>> -> memref<1x128xi32, #tpu.memory_space<vmem>>
    %dma_start3A_22 = tpu.memref_squeeze %dma_start3A_21 : memref<1x128xi32, #tpu.memory_space<vmem>> -> memref<128xi32, #tpu.memory_space<vmem>>
    %dma_start3A_23 = arith.constant 0 : i32
    %dma_start3A_24 = arith.constant 0 : i32
    %dma_start3A_25 = tpu.memref_slice %arg9[%dma_start3A_23, %dma_start3A_24] : memref<256x128xf32, #tpu.memory_space<vmem_shared>> -> memref<256x128xf32, #tpu.memory_space<vmem_shared>>
    %dma_start3A_26 = tpu.memref_slice %arg10[%dma_start3A_16] : memref<4x!tpu.dma_semaphore, #tpu.memory_space<semaphore_mem>> -> memref<1x!tpu.dma_semaphore, #tpu.memory_space<semaphore_mem>>
    %dma_start3A_27 = tpu.memref_squeeze %dma_start3A_26 : memref<1x!tpu.dma_semaphore, #tpu.memory_space<semaphore_mem>> -> memref<!tpu.dma_semaphore, #tpu.memory_space<semaphore_mem>>
    tpu.enqueue_indirect_dma source(%dma_start3A_25 : memref<256x128xf32, #tpu.memory_space<vmem_shared>>) target(%dma_start3A_19 : memref<128x128xf32, #tpu.memory_space<vmem>>) offsets(%dma_start3A_22 : memref<128xi32, #tpu.memory_space<vmem>>) semaphore(%dma_start3A_27 : memref<!tpu.dma_semaphore, #tpu.memory_space<semaphore_mem>>)
    %dma_start3A_28 = arith.constant 2 : i32
    %dma_start3A_29 = arith.constant 2 : i32
    %dma_start3A_30 = arith.constant 256 : i32
    %dma_start3A_31 = arith.constant 0 : i32
    %dma_start3A_32 = tpu.memref_slice %arg8[%dma_start3A_30, %dma_start3A_31] : memref<512x128xf32, #tpu.memory_space<vmem>> -> memref<128x128xf32, #tpu.memory_space<vmem>>
    %dma_start3A_33 = arith.constant 0 : i32
    %dma_start3A_34 = tpu.memref_slice %arg7[%dma_start3A_28, %dma_start3A_33] : memref<4x128xi32, #tpu.memory_space<vmem>> -> memref<1x128xi32, #tpu.memory_space<vmem>>
    %dma_start3A_35 = tpu.memref_squeeze %dma_start3A_34 : memref<1x128xi32, #tpu.memory_space<vmem>> -> memref<128xi32, #tpu.memory_space<vmem>>
    %dma_start3A_36 = arith.constant 0 : i32
    %dma_start3A_37 = arith.constant 0 : i32
    %dma_start3A_38 = tpu.memref_slice %arg9[%dma_start3A_36, %dma_start3A_37] : memref<256x128xf32, #tpu.memory_space<vmem_shared>> -> memref<256x128xf32, #tpu.memory_space<vmem_shared>>
    %dma_start3A_39 = tpu.memref_slice %arg10[%dma_start3A_29] : memref<4x!tpu.dma_semaphore, #tpu.memory_space<semaphore_mem>> -> memref<1x!tpu.dma_semaphore, #tpu.memory_space<semaphore_mem>>
    %dma_start3A_40 = tpu.memref_squeeze %dma_start3A_39 : memref<1x!tpu.dma_semaphore, #tpu.memory_space<semaphore_mem>> -> memref<!tpu.dma_semaphore, #tpu.memory_space<semaphore_mem>>
    tpu.enqueue_indirect_dma source(%dma_start3A_38 : memref<256x128xf32, #tpu.memory_space<vmem_shared>>) target(%dma_start3A_32 : memref<128x128xf32, #tpu.memory_space<vmem>>) offsets(%dma_start3A_35 : memref<128xi32, #tpu.memory_space<vmem>>) semaphore(%dma_start3A_40 : memref<!tpu.dma_semaphore, #tpu.memory_space<semaphore_mem>>)
    %dma_start3A_41 = arith.constant 3 : i32
    %dma_start3A_42 = arith.constant 3 : i32
    %dma_start3A_43 = arith.constant 384 : i32
    %dma_start3A_44 = arith.constant 0 : i32
    %dma_start3A_45 = tpu.memref_slice %arg8[%dma_start3A_43, %dma_start3A_44] : memref<512x128xf32, #tpu.memory_space<vmem>> -> memref<128x128xf32, #tpu.memory_space<vmem>>
    %dma_start3A_46 = arith.constant 0 : i32
    %dma_start3A_47 = tpu.memref_slice %arg7[%dma_start3A_41, %dma_start3A_46] : memref<4x128xi32, #tpu.memory_space<vmem>> -> memref<1x128xi32, #tpu.memory_space<vmem>>
    %dma_start3A_48 = tpu.memref_squeeze %dma_start3A_47 : memref<1x128xi32, #tpu.memory_space<vmem>> -> memref<128xi32, #tpu.memory_space<vmem>>
    %dma_start3A_49 = arith.constant 0 : i32
    %dma_start3A_50 = arith.constant 0 : i32
    %dma_start3A_51 = tpu.memref_slice %arg9[%dma_start3A_49, %dma_start3A_50] : memref<256x128xf32, #tpu.memory_space<vmem_shared>> -> memref<256x128xf32, #tpu.memory_space<vmem_shared>>
    %dma_start3A_52 = tpu.memref_slice %arg10[%dma_start3A_42] : memref<4x!tpu.dma_semaphore, #tpu.memory_space<semaphore_mem>> -> memref<1x!tpu.dma_semaphore, #tpu.memory_space<semaphore_mem>>
    %dma_start3A_53 = tpu.memref_squeeze %dma_start3A_52 : memref<1x!tpu.dma_semaphore, #tpu.memory_space<semaphore_mem>> -> memref<!tpu.dma_semaphore, #tpu.memory_space<semaphore_mem>>
    tpu.enqueue_indirect_dma source(%dma_start3A_51 : memref<256x128xf32, #tpu.memory_space<vmem_shared>>) target(%dma_start3A_45 : memref<128x128xf32, #tpu.memory_space<vmem>>) offsets(%dma_start3A_48 : memref<128xi32, #tpu.memory_space<vmem>>) semaphore(%dma_start3A_53 : memref<!tpu.dma_semaphore, #tpu.memory_space<semaphore_mem>>)
    %dma_wait3A = arith.constant 0 : i32
    %dma_wait3A_54 = arith.constant 0 : i32
    %dma_wait3A_55 = arith.constant 0 : i32
    %dma_wait3A_56 = arith.constant 0 : i32
    %dma_wait3A_57 = tpu.memref_slice %arg8[%dma_wait3A_55, %dma_wait3A_56] : memref<512x128xf32, #tpu.memory_space<vmem>> -> memref<128x128xf32, #tpu.memory_space<vmem>>
    %dma_wait3A_58 = arith.constant 0 : i32
    %dma_wait3A_59 = tpu.memref_slice %arg7[%dma_wait3A, %dma_wait3A_58] : memref<4x128xi32, #tpu.memory_space<vmem>> -> memref<1x128xi32, #tpu.memory_space<vmem>>
    %dma_wait3A_60 = tpu.memref_squeeze %dma_wait3A_59 : memref<1x128xi32, #tpu.memory_space<vmem>> -> memref<128xi32, #tpu.memory_space<vmem>>
    %dma_wait3A_61 = arith.constant 0 : i32
    %dma_wait3A_62 = arith.constant 0 : i32
    %dma_wait3A_63 = tpu.memref_slice %arg9[%dma_wait3A_61, %dma_wait3A_62] : memref<256x128xf32, #tpu.memory_space<vmem_shared>> -> memref<256x128xf32, #tpu.memory_space<vmem_shared>>
    %dma_wait3A_64 = tpu.memref_slice %arg10[%dma_wait3A_54] : memref<4x!tpu.dma_semaphore, #tpu.memory_space<semaphore_mem>> -> memref<1x!tpu.dma_semaphore, #tpu.memory_space<semaphore_mem>>
    %dma_wait3A_65 = tpu.memref_squeeze %dma_wait3A_64 : memref<1x!tpu.dma_semaphore, #tpu.memory_space<semaphore_mem>> -> memref<!tpu.dma_semaphore, #tpu.memory_space<semaphore_mem>>
    tpu.wait_indirect_dma semaphore(%dma_wait3A_65 : memref<!tpu.dma_semaphore, #tpu.memory_space<semaphore_mem>>) src(%dma_wait3A_63 : memref<256x128xf32, #tpu.memory_space<vmem_shared>>) dst(%dma_wait3A_57 : memref<128x128xf32, #tpu.memory_space<vmem>>)
    %mul3A_66 = arith.constant 512 : i32
    %mul3A_67 = arith.muli %add3A, %mul3A_66 : i32
    %add3A_68 = arith.constant 0 : i32
    %add3A_69 = arith.addi %mul3A_67, %add3A_68 : i32
    %dma_start3A_70 = arith.constant 0 : i32
    %dma_start3A_71 = arith.constant 0 : i32
    %dma_start3A_72 = tpu.memref_slice %arg8[%dma_start3A_70, %dma_start3A_71] : memref<512x128xf32, #tpu.memory_space<vmem>> -> memref<128x128xf32, #tpu.memory_space<vmem>>
    %dma_start3A_73 = arith.constant 0 : i32
    %dma_start3A_74 = tpu.memref_slice %arg6[%add3A_69, %dma_start3A_73] : memref<16384x128xf32, #tpu.memory_space<hbm>> -> memref<128x128xf32, #tpu.memory_space<hbm>>
    %dma_start3A_75 = arith.constant 0 : i32
    %dma_start3A_76 = tpu.memref_slice %arg6[%add3A_69, %dma_start3A_75] : memref<16384x128xf32, #tpu.memory_space<hbm>> -> memref<128x128xf32, #tpu.memory_space<hbm>>
    %dma_start3A_77 = arith.constant 0 : i32
    %dma_start3A_78 = arith.constant 0 : i32
    %dma_start3A_79 = tpu.memref_slice %arg8[%dma_start3A_77, %dma_start3A_78] : memref<512x128xf32, #tpu.memory_space<vmem>> -> memref<128x128xf32, #tpu.memory_space<vmem>>
    tpu.enqueue_dma source(%dma_start3A_79 : memref<128x128xf32, #tpu.memory_space<vmem>>) target(%dma_start3A_76 : memref<128x128xf32, #tpu.memory_space<hbm>>) target_semaphore(%arg11 : memref<!tpu.dma_semaphore, #tpu.memory_space<semaphore_mem>>)
    %dma_wait3A_80 = arith.constant 1 : i32
    %dma_wait3A_81 = arith.constant 1 : i32
    %dma_wait3A_82 = arith.constant 128 : i32
    %dma_wait3A_83 = arith.constant 0 : i32
    %dma_wait3A_84 = tpu.memref_slice %arg8[%dma_wait3A_82, %dma_wait3A_83] : memref<512x128xf32, #tpu.memory_space<vmem>> -> memref<128x128xf32, #tpu.memory_space<vmem>>
    %dma_wait3A_85 = arith.constant 0 : i32
    %dma_wait3A_86 = tpu.memref_slice %arg7[%dma_wait3A_80, %dma_wait3A_85] : memref<4x128xi32, #tpu.memory_space<vmem>> -> memref<1x128xi32, #tpu.memory_space<vmem>>
    %dma_wait3A_87 = tpu.memref_squeeze %dma_wait3A_86 : memref<1x128xi32, #tpu.memory_space<vmem>> -> memref<128xi32, #tpu.memory_space<vmem>>
    %dma_wait3A_88 = arith.constant 0 : i32
    %dma_wait3A_89 = arith.constant 0 : i32
    %dma_wait3A_90 = tpu.memref_slice %arg9[%dma_wait3A_88, %dma_wait3A_89] : memref<256x128xf32, #tpu.memory_space<vmem_shared>> -> memref<256x128xf32, #tpu.memory_space<vmem_shared>>
    %dma_wait3A_91 = tpu.memref_slice %arg10[%dma_wait3A_81] : memref<4x!tpu.dma_semaphore, #tpu.memory_space<semaphore_mem>> -> memref<1x!tpu.dma_semaphore, #tpu.memory_space<semaphore_mem>>
    %dma_wait3A_92 = tpu.memref_squeeze %dma_wait3A_91 : memref<1x!tpu.dma_semaphore, #tpu.memory_space<semaphore_mem>> -> memref<!tpu.dma_semaphore, #tpu.memory_space<semaphore_mem>>
    tpu.wait_indirect_dma semaphore(%dma_wait3A_92 : memref<!tpu.dma_semaphore, #tpu.memory_space<semaphore_mem>>) src(%dma_wait3A_90 : memref<256x128xf32, #tpu.memory_space<vmem_shared>>) dst(%dma_wait3A_84 : memref<128x128xf32, #tpu.memory_space<vmem>>)
    %mul3A_93 = arith.constant 512 : i32
    %mul3A_94 = arith.muli %add3A, %mul3A_93 : i32
    %add3A_95 = arith.constant 128 : i32
    %add3A_96 = arith.addi %mul3A_94, %add3A_95 : i32
    %dma_start3A_97 = arith.constant 128 : i32
    %dma_start3A_98 = arith.constant 0 : i32
    %dma_start3A_99 = tpu.memref_slice %arg8[%dma_start3A_97, %dma_start3A_98] : memref<512x128xf32, #tpu.memory_space<vmem>> -> memref<128x128xf32, #tpu.memory_space<vmem>>
    %dma_start3A_100 = arith.constant 0 : i32
    %dma_start3A_101 = tpu.memref_slice %arg6[%add3A_96, %dma_start3A_100] : memref<16384x128xf32, #tpu.memory_space<hbm>> -> memref<128x128xf32, #tpu.memory_space<hbm>>
    %dma_start3A_102 = arith.constant 0 : i32
    %dma_start3A_103 = tpu.memref_slice %arg6[%add3A_96, %dma_start3A_102] : memref<16384x128xf32, #tpu.memory_space<hbm>> -> memref<128x128xf32, #tpu.memory_space<hbm>>
    %dma_start3A_104 = arith.constant 128 : i32
    %dma_start3A_105 = arith.constant 0 : i32
    %dma_start3A_106 = tpu.memref_slice %arg8[%dma_start3A_104, %dma_start3A_105] : memref<512x128xf32, #tpu.memory_space<vmem>> -> memref<128x128xf32, #tpu.memory_space<vmem>>
    tpu.enqueue_dma source(%dma_start3A_106 : memref<128x128xf32, #tpu.memory_space<vmem>>) target(%dma_start3A_103 : memref<128x128xf32, #tpu.memory_space<hbm>>) target_semaphore(%arg11 : memref<!tpu.dma_semaphore, #tpu.memory_space<semaphore_mem>>)
    %dma_wait3A_107 = arith.constant 2 : i32
    %dma_wait3A_108 = arith.constant 2 : i32
    %dma_wait3A_109 = arith.constant 256 : i32
    %dma_wait3A_110 = arith.constant 0 : i32
    %dma_wait3A_111 = tpu.memref_slice %arg8[%dma_wait3A_109, %dma_wait3A_110] : memref<512x128xf32, #tpu.memory_space<vmem>> -> memref<128x128xf32, #tpu.memory_space<vmem>>
    %dma_wait3A_112 = arith.constant 0 : i32
    %dma_wait3A_113 = tpu.memref_slice %arg7[%dma_wait3A_107, %dma_wait3A_112] : memref<4x128xi32, #tpu.memory_space<vmem>> -> memref<1x128xi32, #tpu.memory_space<vmem>>
    %dma_wait3A_114 = tpu.memref_squeeze %dma_wait3A_113 : memref<1x128xi32, #tpu.memory_space<vmem>> -> memref<128xi32, #tpu.memory_space<vmem>>
    %dma_wait3A_115 = arith.constant 0 : i32
    %dma_wait3A_116 = arith.constant 0 : i32
    %dma_wait3A_117 = tpu.memref_slice %arg9[%dma_wait3A_115, %dma_wait3A_116] : memref<256x128xf32, #tpu.memory_space<vmem_shared>> -> memref<256x128xf32, #tpu.memory_space<vmem_shared>>
    %dma_wait3A_118 = tpu.memref_slice %arg10[%dma_wait3A_108] : memref<4x!tpu.dma_semaphore, #tpu.memory_space<semaphore_mem>> -> memref<1x!tpu.dma_semaphore, #tpu.memory_space<semaphore_mem>>
    %dma_wait3A_119 = tpu.memref_squeeze %dma_wait3A_118 : memref<1x!tpu.dma_semaphore, #tpu.memory_space<semaphore_mem>> -> memref<!tpu.dma_semaphore, #tpu.memory_space<semaphore_mem>>
    tpu.wait_indirect_dma semaphore(%dma_wait3A_119 : memref<!tpu.dma_semaphore, #tpu.memory_space<semaphore_mem>>) src(%dma_wait3A_117 : memref<256x128xf32, #tpu.memory_space<vmem_shared>>) dst(%dma_wait3A_111 : memref<128x128xf32, #tpu.memory_space<vmem>>)
    %mul3A_120 = arith.constant 512 : i32
    %mul3A_121 = arith.muli %add3A, %mul3A_120 : i32
    %add3A_122 = arith.constant 256 : i32
    %add3A_123 = arith.addi %mul3A_121, %add3A_122 : i32
    %dma_start3A_124 = arith.constant 256 : i32
    %dma_start3A_125 = arith.constant 0 : i32
    %dma_start3A_126 = tpu.memref_slice %arg8[%dma_start3A_124, %dma_start3A_125] : memref<512x128xf32, #tpu.memory_space<vmem>> -> memref<128x128xf32, #tpu.memory_space<vmem>>
    %dma_start3A_127 = arith.constant 0 : i32
    %dma_start3A_128 = tpu.memref_slice %arg6[%add3A_123, %dma_start3A_127] : memref<16384x128xf32, #tpu.memory_space<hbm>> -> memref<128x128xf32, #tpu.memory_space<hbm>>
    %dma_start3A_129 = arith.constant 0 : i32
    %dma_start3A_130 = tpu.memref_slice %arg6[%add3A_123, %dma_start3A_129] : memref<16384x128xf32, #tpu.memory_space<hbm>> -> memref<128x128xf32, #tpu.memory_space<hbm>>
    %dma_start3A_131 = arith.constant 256 : i32
    %dma_start3A_132 = arith.constant 0 : i32
    %dma_start3A_133 = tpu.memref_slice %arg8[%dma_start3A_131, %dma_start3A_132] : memref<512x128xf32, #tpu.memory_space<vmem>> -> memref<128x128xf32, #tpu.memory_space<vmem>>
    tpu.enqueue_dma source(%dma_start3A_133 : memref<128x128xf32, #tpu.memory_space<vmem>>) target(%dma_start3A_130 : memref<128x128xf32, #tpu.memory_space<hbm>>) target_semaphore(%arg11 : memref<!tpu.dma_semaphore, #tpu.memory_space<semaphore_mem>>)
    %dma_wait3A_134 = arith.constant 3 : i32
    %dma_wait3A_135 = arith.constant 3 : i32
    %dma_wait3A_136 = arith.constant 384 : i32
    %dma_wait3A_137 = arith.constant 0 : i32
    %dma_wait3A_138 = tpu.memref_slice %arg8[%dma_wait3A_136, %dma_wait3A_137] : memref<512x128xf32, #tpu.memory_space<vmem>> -> memref<128x128xf32, #tpu.memory_space<vmem>>
    %dma_wait3A_139 = arith.constant 0 : i32
    %dma_wait3A_140 = tpu.memref_slice %arg7[%dma_wait3A_134, %dma_wait3A_139] : memref<4x128xi32, #tpu.memory_space<vmem>> -> memref<1x128xi32, #tpu.memory_space<vmem>>
    %dma_wait3A_141 = tpu.memref_squeeze %dma_wait3A_140 : memref<1x128xi32, #tpu.memory_space<vmem>> -> memref<128xi32, #tpu.memory_space<vmem>>
    %dma_wait3A_142 = arith.constant 0 : i32
    %dma_wait3A_143 = arith.constant 0 : i32
    %dma_wait3A_144 = tpu.memref_slice %arg9[%dma_wait3A_142, %dma_wait3A_143] : memref<256x128xf32, #tpu.memory_space<vmem_shared>> -> memref<256x128xf32, #tpu.memory_space<vmem_shared>>
    %dma_wait3A_145 = tpu.memref_slice %arg10[%dma_wait3A_135] : memref<4x!tpu.dma_semaphore, #tpu.memory_space<semaphore_mem>> -> memref<1x!tpu.dma_semaphore, #tpu.memory_space<semaphore_mem>>
    %dma_wait3A_146 = tpu.memref_squeeze %dma_wait3A_145 : memref<1x!tpu.dma_semaphore, #tpu.memory_space<semaphore_mem>> -> memref<!tpu.dma_semaphore, #tpu.memory_space<semaphore_mem>>
    tpu.wait_indirect_dma semaphore(%dma_wait3A_146 : memref<!tpu.dma_semaphore, #tpu.memory_space<semaphore_mem>>) src(%dma_wait3A_144 : memref<256x128xf32, #tpu.memory_space<vmem_shared>>) dst(%dma_wait3A_138 : memref<128x128xf32, #tpu.memory_space<vmem>>)
    %mul3A_147 = arith.constant 512 : i32
    %mul3A_148 = arith.muli %add3A, %mul3A_147 : i32
    %add3A_149 = arith.constant 384 : i32
    %add3A_150 = arith.addi %mul3A_148, %add3A_149 : i32
    %dma_start3A_151 = arith.constant 384 : i32
    %dma_start3A_152 = arith.constant 0 : i32
    %dma_start3A_153 = tpu.memref_slice %arg8[%dma_start3A_151, %dma_start3A_152] : memref<512x128xf32, #tpu.memory_space<vmem>> -> memref<128x128xf32, #tpu.memory_space<vmem>>
    %dma_start3A_154 = arith.constant 0 : i32
    %dma_start3A_155 = tpu.memref_slice %arg6[%add3A_150, %dma_start3A_154] : memref<16384x128xf32, #tpu.memory_space<hbm>> -> memref<128x128xf32, #tpu.memory_space<hbm>>
    %dma_start3A_156 = arith.constant 0 : i32
    %dma_start3A_157 = tpu.memref_slice %arg6[%add3A_150, %dma_start3A_156] : memref<16384x128xf32, #tpu.memory_space<hbm>> -> memref<128x128xf32, #tpu.memory_space<hbm>>
    %dma_start3A_158 = arith.constant 384 : i32
    %dma_start3A_159 = arith.constant 0 : i32
    %dma_start3A_160 = tpu.memref_slice %arg8[%dma_start3A_158, %dma_start3A_159] : memref<512x128xf32, #tpu.memory_space<vmem>> -> memref<128x128xf32, #tpu.memory_space<vmem>>
    tpu.enqueue_dma source(%dma_start3A_160 : memref<128x128xf32, #tpu.memory_space<vmem>>) target(%dma_start3A_157 : memref<128x128xf32, #tpu.memory_space<hbm>>) target_semaphore(%arg11 : memref<!tpu.dma_semaphore, #tpu.memory_space<semaphore_mem>>)
    %dma_wait3A_161 = arith.constant 0 : i32
    %dma_wait3A_162 = arith.constant 0 : i32
    %dma_wait3A_163 = tpu.memref_slice %arg8[%dma_wait3A_161, %dma_wait3A_162] : memref<512x128xf32, #tpu.memory_space<vmem>> -> memref<128x128xf32, #tpu.memory_space<vmem>>
    %dma_wait3A_164 = arith.constant 0 : i32
    %dma_wait3A_165 = tpu.memref_slice %arg6[%add3A_69, %dma_wait3A_164] : memref<16384x128xf32, #tpu.memory_space<hbm>> -> memref<128x128xf32, #tpu.memory_space<hbm>>
    %dma_wait3A_166 = arith.constant 0 : i32
    %dma_wait3A_167 = tpu.memref_slice %arg6[%add3A_69, %dma_wait3A_166] : memref<16384x128xf32, #tpu.memory_space<hbm>> -> memref<128x128xf32, #tpu.memory_space<hbm>>
    %dma_wait3A_168 = arith.constant 0 : i32
    %dma_wait3A_169 = arith.constant 0 : i32
    %dma_wait3A_170 = tpu.memref_slice %arg8[%dma_wait3A_168, %dma_wait3A_169] : memref<512x128xf32, #tpu.memory_space<vmem>> -> memref<128x128xf32, #tpu.memory_space<vmem>>
    tpu.wait_dma2 semaphore(%arg11 : memref<!tpu.dma_semaphore, #tpu.memory_space<semaphore_mem>>) src(%dma_wait3A_170 : memref<128x128xf32, #tpu.memory_space<vmem>>) dst(%dma_wait3A_167 : memref<128x128xf32, #tpu.memory_space<hbm>>)
    %dma_wait3A_171 = arith.constant 128 : i32
    %dma_wait3A_172 = arith.constant 0 : i32
    %dma_wait3A_173 = tpu.memref_slice %arg8[%dma_wait3A_171, %dma_wait3A_172] : memref<512x128xf32, #tpu.memory_space<vmem>> -> memref<128x128xf32, #tpu.memory_space<vmem>>
    %dma_wait3A_174 = arith.constant 0 : i32
    %dma_wait3A_175 = tpu.memref_slice %arg6[%add3A_96, %dma_wait3A_174] : memref<16384x128xf32, #tpu.memory_space<hbm>> -> memref<128x128xf32, #tpu.memory_space<hbm>>
    %dma_wait3A_176 = arith.constant 0 : i32
    %dma_wait3A_177 = tpu.memref_slice %arg6[%add3A_96, %dma_wait3A_176] : memref<16384x128xf32, #tpu.memory_space<hbm>> -> memref<128x128xf32, #tpu.memory_space<hbm>>
    %dma_wait3A_178 = arith.constant 128 : i32
    %dma_wait3A_179 = arith.constant 0 : i32
    %dma_wait3A_180 = tpu.memref_slice %arg8[%dma_wait3A_178, %dma_wait3A_179] : memref<512x128xf32, #tpu.memory_space<vmem>> -> memref<128x128xf32, #tpu.memory_space<vmem>>
    tpu.wait_dma2 semaphore(%arg11 : memref<!tpu.dma_semaphore, #tpu.memory_space<semaphore_mem>>) src(%dma_wait3A_180 : memref<128x128xf32, #tpu.memory_space<vmem>>) dst(%dma_wait3A_177 : memref<128x128xf32, #tpu.memory_space<hbm>>)
    %dma_wait3A_181 = arith.constant 256 : i32
    %dma_wait3A_182 = arith.constant 0 : i32
    %dma_wait3A_183 = tpu.memref_slice %arg8[%dma_wait3A_181, %dma_wait3A_182] : memref<512x128xf32, #tpu.memory_space<vmem>> -> memref<128x128xf32, #tpu.memory_space<vmem>>
    %dma_wait3A_184 = arith.constant 0 : i32
    %dma_wait3A_185 = tpu.memref_slice %arg6[%add3A_123, %dma_wait3A_184] : memref<16384x128xf32, #tpu.memory_space<hbm>> -> memref<128x128xf32, #tpu.memory_space<hbm>>
    %dma_wait3A_186 = arith.constant 0 : i32
    %dma_wait3A_187 = tpu.memref_slice %arg6[%add3A_123, %dma_wait3A_186] : memref<16384x128xf32, #tpu.memory_space<hbm>> -> memref<128x128xf32, #tpu.memory_space<hbm>>
    %dma_wait3A_188 = arith.constant 256 : i32
    %dma_wait3A_189 = arith.constant 0 : i32
    %dma_wait3A_190 = tpu.memref_slice %arg8[%dma_wait3A_188, %dma_wait3A_189] : memref<512x128xf32, #tpu.memory_space<vmem>> -> memref<128x128xf32, #tpu.memory_space<vmem>>
    tpu.wait_dma2 semaphore(%arg11 : memref<!tpu.dma_semaphore, #tpu.memory_space<semaphore_mem>>) src(%dma_wait3A_190 : memref<128x128xf32, #tpu.memory_space<vmem>>) dst(%dma_wait3A_187 : memref<128x128xf32, #tpu.memory_space<hbm>>)
    %dma_wait3A_191 = arith.constant 384 : i32
    %dma_wait3A_192 = arith.constant 0 : i32
    %dma_wait3A_193 = tpu.memref_slice %arg8[%dma_wait3A_191, %dma_wait3A_192] : memref<512x128xf32, #tpu.memory_space<vmem>> -> memref<128x128xf32, #tpu.memory_space<vmem>>
    %dma_wait3A_194 = arith.constant 0 : i32
    %dma_wait3A_195 = tpu.memref_slice %arg6[%add3A_150, %dma_wait3A_194] : memref<16384x128xf32, #tpu.memory_space<hbm>> -> memref<128x128xf32, #tpu.memory_space<hbm>>
    %dma_wait3A_196 = arith.constant 0 : i32
    %dma_wait3A_197 = tpu.memref_slice %arg6[%add3A_150, %dma_wait3A_196] : memref<16384x128xf32, #tpu.memory_space<hbm>> -> memref<128x128xf32, #tpu.memory_space<hbm>>
    %dma_wait3A_198 = arith.constant 384 : i32
    %dma_wait3A_199 = arith.constant 0 : i32
    %dma_wait3A_200 = tpu.memref_slice %arg8[%dma_wait3A_198, %dma_wait3A_199] : memref<512x128xf32, #tpu.memory_space<vmem>> -> memref<128x128xf32, #tpu.memory_space<vmem>>
    tpu.wait_dma2 semaphore(%arg11 : memref<!tpu.dma_semaphore, #tpu.memory_space<semaphore_mem>>) src(%dma_wait3A_200 : memref<128x128xf32, #tpu.memory_space<vmem>>) dst(%dma_wait3A_197 : memref<128x128xf32, #tpu.memory_space<hbm>>)
    return
  }
}

</mosaic_0001>

<sc_bundles>
// kernel: kernel.3.cloned.1.call-start
scs
__scs_entry_jumppad:
0x0: {  	(pc) =	sbr.rel $0x88, $3  }
0x1: {  	(tag) =	ssettag $0x0;
	lr =	simm.s32 $0x1  }
0x2: {  	[smem:$0x3F9D] =	sst lr;
	_ =	strace $0xD0000000  }
0x3: {  	_ = 	snop  }
0x4: {  	_ = 	snop  }
0x5: {  	_ = 	snop  }
0x6: {  	_ = 	snop  }
0x7: {  	_ = 	snop  }
__scs_overlays_trampoline_lowered:
0x8: {  	[smem:$0x3FAC] =	sst s0  }
0x9: {  	[smem:$0x3FAD] =	sst s1  }
0xa: {  	[smem:$0x3FAE] =	sst s2  }
0xb: {  	[smem:$0x3FAF] =	sst s3  }
0xc: {  	[smem:$0x3FB0] =	sst s4  }
0xd: {  	[smem:$0x3FB1] =	sst s5  }
0xe: {  	[smem:$0x3FB2] =	sst s6  }
0xf: {  	[smem:$0x3FB3] =	sst s7  }
0x10: {  	[smem:$0x3FB4] =	sst s8  }
0x11: {  	[smem:$0x3FB5] =	sst s9;
	s0 =	simm.s32 @!p0 $0x0  }
0x12: {  	s1 =	sld [smem:$0x3F9B];
	s0 =	simm.s32 @p0 $0x1  }
0x13: {  	[smem:$0x3FB6] =	sst s0;
	s0 =	simm.s32 @!p1 $0x0  }
0x14: {  	s2 =	sld [smem:$0x3F9A];
	s0 =	simm.s32 @p1 $0x1  }
0x15: {  	[smem:$0x3FB7] =	sst s0;
	s0 =	simm.s32 @!p2 $0x0  }
0x16: {  	s3 =	sld [smem:$0x3FDB];
	s0 =	simm.s32 @p2 $0x1  }
0x17: {  	s4 =	simm.s32 $0x1BF5;
	[smem:$0x3FB9] =	sst s0  }
0x18: {  	s0 =	sld [smem:$0x3F9C];
	_ =	swait.ge [sflag:s4], $0x0  }
0x19: {  	s7 =	sld [smem:$0x3F9D]  }
0x1a: {  	s8 =	sadd.s32 $0xFFFFE003, lr  }
0x1b: {  	s9 =	sadd.s32 $0xFFFFFEF7, lr;
	s5 =	simm.s32 $0xFFFFFFFF;
	p2 =	slt.u32 s8, $0xFFFFF086  }
0x1c: {  	p1 =	slt.u32 s9, $0xF7A;
	s5 =	simm.s32 @!p2 $0x0  }
0x1d: {  	s5 =	simm.s32 @p1 $0x1;
	p0 =	seq.s32 s7, s2  }
0x1e: {  	s7 =	smul.u32 @!p0 $0xF7A, s2;
	p2 =	seq.s32 @!p0 s5, $0x0  }
0x1f: {  	s9 =	smul.u32 $0xF7A, s1;
	s8 =	simm.s32 @!p0 $0x1BF5;
	p2 =	por !p2, p0  }
0x20: {  	[sflag:s8] =	ssyncset.s32 @!p0 $0xFFFFF086;
	s6 =	sadd.s32 @!p0 s3, s7;
	s7 =	simm.s32 @!p0 $0x108  }
0x21: {  	s3 =	sadd.s32 s3, s9;
	s6 =	sadd.s32 @!p0 $0x88, s6;
	s7 =	simm.s32 @p2 $0x1082  }
0x22: {  	[simem:s7], [sflag:s8] =	dma.local @!p0 [hbm:s6], $0xF7A  }
0x23: {  	s9 =	sor.u32 $0xD0000000, s2;
	s6 =	simm.s32 $0x108;
	_ =	swait.ge @!p0 [sflag:s8], $0x0  }
0x24: {  	s3 =	sadd.s32 $0x88, s3;
	s6 =	simm.s32 @!p1 $0x1082;
	[sflag:s4] =	ssyncset.s32 $0xFFFFF086  }
0x25: {  	[simem:s6], [sflag:s4] =	dma.local [hbm:s3], $0xF7A  }
0x26: {  	[smem:$0x3F9D] =	sst s1;
	(tag) =	ssettag s2;
	_ =	strace s9  }
0x27: {  	s1 =	sld [smem:$0x3FAD]  }
0x28: {  	s2 =	sld [smem:$0x3FAE]  }
0x29: {  	s4 =	sld [smem:$0x3FB0]  }
0x2a: {  	p0 =	seq.s32 s5, $0x0;
	s5 =	sld [smem:$0x3FB1]  }
0x2b: {  	s6 =	sld [smem:$0x3FB2]  }
0x2c: {  	s7 =	sld [smem:$0x3FB3]  }
0x2d: {  	s3 =	simm.s32 $0x108;
	s8 =	sld [smem:$0x3FB4]  }
0x2e: {  	s3 =	simm.s32 @!p0 $0x1082;
	s9 =	sld [smem:$0x3FB5]  }
0x2f: {  	lr =	sadd.s32 s0, s3;
	s0 =	sld [smem:$0x3FAC]  }
0x30: {  	s3 =	sld [smem:$0x3FAF]  }
0x31: {  	[smem:$0x3FB8] =	sst s10  }
0x32: {  	s10 =	sld [smem:$0x3FB6];
	_ =	sdelay $0x3  }
0x33: {  	p0 =	seq.s32 s10, $0x1;
	s10 =	sld [smem:$0x3FB8];
	_ =	sdelay $0x3  }
0x34: {  	[smem:$0x3FB8] =	sst s10  }
0x35: {  	s10 =	sld [smem:$0x3FB7];
	_ =	sdelay $0x3  }
0x36: {  	p1 =	seq.s32 s10, $0x1;
	s10 =	sld [smem:$0x3FB8];
	_ =	sdelay $0x3  }
0x37: {  	[smem:$0x3FB8] =	sst s10  }
0x38: {  	s10 =	sld [smem:$0x3FB9]  }
0x39: {  	_ = 	snop;
	(pc) =	sbr.ind lr, $3  }
0x3a: {  	_ = 	snop  }
0x3b: {  	_ = 	snop  }
0x3c: {  	p2 =	seq.s32 s10, $0x1;
	s10 =	sld [smem:$0x3FB8]  }
0x3d: {  	_ =	shalt  }
0x3e: {  	_ =	shalt  }
0x3f: {  	_ =	shalt  }
0x40: {  	_ =	shalt  }
0x41: {  	_ =	shalt  }
0x42: {  	_ =	shalt  }
0x43: {  	_ =	shalt  }
0x44: {  	_ =	shalt  }
0x45: {  	_ =	shalt  }
0x46: {  	_ =	shalt  }
0x47: {  	_ =	shalt  }
0x48: {  	_ =	shalt  }
0x49: {  	_ =	shalt  }
0x4a: {  	_ =	shalt  }
0x4b: {  	_ =	shalt  }
0x4c: {  	_ =	shalt  }
0x4d: {  	_ =	shalt  }
0x4e: {  	_ =	shalt  }
0x4f: {  	_ =	shalt  }
0x50: {  	_ =	shalt  }
0x51: {  	_ =	shalt  }
0x52: {  	_ =	shalt  }
0x53: {  	_ =	shalt  }
0x54: {  	_ =	shalt  }
0x55: {  	_ =	shalt  }
0x56: {  	_ =	shalt  }
0x57: {  	_ =	shalt  }
0x58: {  	_ =	shalt  }
0x59: {  	_ =	shalt  }
0x5a: {  	_ =	shalt  }
0x5b: {  	_ =	shalt  }
0x5c: {  	_ =	shalt  }
0x5d: {  	_ =	shalt  }
0x5e: {  	_ =	shalt  }
0x5f: {  	_ =	shalt  }
0x60: {  	_ =	shalt  }
0x61: {  	_ =	shalt  }
0x62: {  	_ =	shalt  }
0x63: {  	_ =	shalt  }
0x64: {  	_ =	shalt  }
0x65: {  	_ =	shalt  }
0x66: {  	_ =	shalt  }
0x67: {  	_ =	shalt  }
0x68: {  	_ =	shalt  }
0x69: {  	_ =	shalt  }
0x6a: {  	_ =	shalt  }
0x6b: {  	_ =	shalt  }
0x6c: {  	_ =	shalt  }
0x6d: {  	_ =	shalt  }
0x6e: {  	_ =	shalt  }
0x6f: {  	_ =	shalt  }
0x70: {  	_ =	shalt  }
0x71: {  	_ =	shalt  }
0x72: {  	_ =	shalt  }
0x73: {  	_ =	shalt  }
0x74: {  	_ =	shalt  }
0x75: {  	_ =	shalt  }
0x76: {  	_ =	shalt  }
0x77: {  	_ =	shalt  }
0x78: {  	_ =	shalt  }
0x79: {  	_ =	shalt  }
0x7a: {  	_ =	shalt  }
0x7b: {  	_ =	shalt  }
0x7c: {  	_ =	shalt  }
0x7d: {  	_ =	shalt  }
0x7e: {  	_ =	shalt  }
0x7f: {  	_ =	shalt  }
0x80: {  	_ =	shalt  }
0x81: {  	_ =	shalt  }
0x82: {  	_ =	shalt  }
0x83: {  	_ =	shalt  }
0x84: {  	_ =	shalt  }
0x85: {  	_ =	shalt  }
0x86: {  	_ =	shalt  }
0x87: {  	_ =	shalt  }
.Lfunc_end0:
.L_simem_size_0:
called_computation_lowered:
.L_overlay_start_0:
0x88: {  	s2 =	sld [smem:$0x3FD9]  }
0x89: {  	s3 =	sld [smem:$0x3FFE];
	_ =	sdelay $0x1  }
0x8a: {  	s1 =	srdreg.scid  }
0x8b: {  	s0 =	sand.u32 $0x1, s1  }
0x8c: {  	s18 =	sshll.u32 s0, $0xA;
	s2 =	sadd.s32 s3, s2  }
0x8d: {  	s2 =	sadd.s32 s2, s18  }
0x8e: {  	[smem:$0x3FC4] =	sst s2  }
0x8f: {  	_ = 	snop  }
0x90: {  	s2 =	sld [smem:$0x3FC9]  }
0x91: {  	s19 =	sld [smem:$0x3FC8]  }
0x92: {  	s4 =	sld [smem:$0x3FC7]  }
0x93: {  	s5 =	sld [smem:$0x3FC6]  }
0x94: {  	s6 =	sld [smem:$0x3FD0];
	(tm) =	ssettm $0x1  }
0x95: {  	s7 =	sld [smem:$0x3FFB];
	_ =	sdelay $0x3  }
0x96: {  	_ =	strace s7  }
0x97: {  	s7 =	sld [smem:$0x3FFC];
	_ =	sdelay $0x3  }
0x98: {  	_ =	strace s7  }
0x99: {  	s7 =	sld [smem:$0x3FFD];
	_ =	sdelay $0x3  }
0x9a: {  	_ =	strace s7  }
0x9b: {  	_ =	strace $0x8FFFFFFF  }
0x9c: {  	s20 =	sld [smem:$0x3FDB];
	_ =	sdelay $0x1  }
0x9d: {  	s8 =	simm.s32 $_scs_section_size  }
0x9e: {  	s9 =	simm.s32 $_size__tile_overlayer_lowered;
	s10 =	simm.s32 $_tile_overlayer_lowered  }
0x9f: {  	s23 =	simm.s32 $0x1BFF;
	s22 =	sshll.u32 s10, $0x1;
	s7 =	sadd.s32 s8, s20  }
0xa0: {  	s11 =	simm.s32 $0x0;
	s21 =	sshll.u32 s9, $0x1;
	s9 =	sadd.s32 s22, s7  }
0xa1: {  	[timem:s11], [sflag:s23] =	dma.local [hbm:s9], s21  }
0xa2: {  	_ =	swait.ge [sflag:s23], s21  }
0xa3: {  	s8 =	ssub.s32 $0x0, s21;
	[sflag:s23] =	ssyncset.done $0x0  }
0xa4: {  	[sflag:s23] =	ssyncadd.s32 s8;
	_ =	sdelay $0x1  }
0xa5: {  	s24 =	simm.s32 $0x1B8B  }
0xa6: {  	_ =	swait.ge [sflag:s24], $0x1  }
0xa7: {  	[sflag:s24] =	ssyncset.done $0x0  }
0xa8: {  	s25 =	simm.s32 $0x1B8E;
	[sflag:s24] =	ssyncadd.s32 $0xFFFFFFFF  }
0xa9: {  	s26 =	simm.s32 $execute0_lowered;
	[smem:$0x3FD2] =	sst s25  }
0xaa: {  	s8 =	sshll.u32 s26, $0x1;
	_ =	strace $0x80000046;
	[dreg:$0x1] =	wrdreg $0xFFFFFFFF  }
0xab: {  	s28 =	simm.s32 $_size_execute0_lowered;
	s7 =	sadd.s32 s7, s8;
	[dreg:$0x0] =	wrdreg $0x0  }
0xac: {  	s8 =	sshll.u32 s28, $0x1;
	[dreg:$0x2] =	wrdreg s7  }
0xad: {  	[dreg:$0x3] =	wrdreg s8  }
0xae: {  	[dreg:$0x4] =	wrdreg $0xC0  }
0xaf: {  	_ =	task [dreg:s11], $0x5FFFF  }
0xb0: {  	[dreg:$0x1] =	wrdreg $0xFFFFFFFF  }
0xb1: {  	[dreg:$0x0] =	wrdreg $0x60  }
0xb2: {  	[dreg:$0x2] =	wrdreg s19  }
0xb3: {  	[dreg:$0x3] =	wrdreg s4  }
0xb4: {  	[dreg:$0x4] =	wrdreg s5  }
0xb5: {  	[dreg:$0x5] =	wrdreg s2  }
0xb6: {  	[dreg:$0x6] =	wrdreg s6  }
0xb7: {  	[dreg:$0x7] =	wrdreg $0x102000  }
0xb8: {  	[dreg:$0x8] =	wrdreg $0x9  }
0xb9: {  	_ =	task.clear_ibuf [dreg:s11], $0x9FFFF;
	_ =	strace $0x90000046  }
0xba: {  	s29 =	simm.s32 $0x9;
	_ =	strace $0x80000048  }
0xbb: {  	_ =	swait.ge [sflag:s29], $0x1  }
0xbc: {  	[sflag:s29] =	ssyncadd.s32 $0xFFFFFFFF  }
0xbd: {  	_ =	strace $0x90000048  }
0xbe: {  	_ =	sfence  }
0xbf: {  	s30 =	sld [smem:$0x0];
	_ =	sdelay $0x2  }
0xc0: {  	s31 =	sshll.u32 s1, $0xD;
	s1 =	sshrl.u32 s1, $0x2  }
0xc1: {  	s3 =	sand.u32 $0x4000, s31;
	s1 =	sadd.s32 s1, s30  }
0xc2: {  	s0 =	sor.u32 s3, s0;
	s1 =	sshll.u32 s1, $0x11  }
0xc3: {  	s0 =	sor.u32 s1, s0  }
0xc4: {  	s0 =	sadd.s32 $0x8F2B, s0  }
0xc5: {  	[sflag:s0] =	ssyncadd.remote.s32 $0x1  }
0xc6: {  	_ =	sfence.sel $0xFFFF  }
0xc7: {  	[dreg:$0x0] =	wrdreg $0xFFFFFFFF;
	(pc) =	sbr.abs _section_cstart, $3  }
0xc8: {  	[dreg:$0x1] =	wrdreg $0xFFFFFFFF  }
0xc9: {  	_ =	task.clear_ibuf [dreg:s11], $0x2FFFF;
	_ =	strace $0x9FFFFFFF  }
0xca: {  	(tm) =	ssettm $0x7FFFFFFF  }
0xcb: {  	_ =	shalt  }
tec
execute0_lowered:
.L_overlay_start_1:
0x0: {  	(tag) =	ssettag $0x1  }
0x1: {  	s0 =	rddreg [dreg:$0x0]  }
0x2: {  	s1 =	rddreg [dreg:$0x1]  }
0x3: {  	s2 =	rddreg [dreg:$0x2]  }
0x4: {  	s6 =	rddreg [dreg:$0x3];
	s3 =	srdreg.scid  }
0x5: {  	s21 =	rddreg [dreg:$0x4];
	s7 =	stileid.u32  }
0x6: {  	s4 =	rddreg [dreg:$0x5];
	s5 =	simm.s32 $0x0;
	s30 =	sand.u32 $0x1, s3  }
0x7: {  	s8 =	sshll.u32 s7, $0xA;
	s3 =	rddreg [dreg:$0x6];
	s9 =	sshll.u32 s30, $0x9  }
0x8: {  	[smem:$0x7FF] =	sst s5;
	s22 =	sor.u32 s9, s8  }
0x9: {  	p0 =	sne.s32 s7, $0x0;
	s7 =	simm.s32 $0x7;
	s8 =	sshrl.u32 s22, $0x3  }
0xa: {  	s10 =	sadd.s32 $0x4000, s4;
	_ =	strace $0x80000047;
	s6 =	sadd.s32 s6, s8  }
0xb: {  	[tilespmem:s5], [sflag:$0x7] =	stream.linear.gather [hbm4b:s6+s5], $0x200, $0x38;
	[tilespmem:$0x10A00] =	vst v63  }
0xc: {  	s10 =	sshrl.u32 @!p0 s10, $0x3;
	s11 =	simm.s32 @!p0 $0x1C06;
	_ =	swait.ge [sflag:s7], $0x200  }
0xd: {  	s12 =	simm.s32 @!p0 $0x6;
	s9 =	sadd.s32 $0x800, s4;
	[sflag:s7] =	ssyncset.done $0x0  }
0xe: {  	s9 =	sshrl.u32 @!p0 s9, $0x3;
	s8 =	sshrl.u32 @!p0 s4, $0x3;
	[sflag:s7] =	ssyncadd.s32 $0xFFFFFE00  }
0xf: {  	[spmem:s8], [sflag:s11] =	dma.local @!p0 [hbm:s0], $0x100  }
0x10: {  	[spmem:s9], [sflag:s11] =	dma.local @!p0 [hbm:s1], $0x700  }
0x11: {  	[spmem:s10], [sflag:s11] =	dma.local @!p0 [hbm:s2], $0x800  }
0x12: {  	_ =	swait.ge @!p0 [sflag:s12], $0x100  }
0x13: {  	[sflag:s12] =	ssyncset.done @!p0 $0x0  }
0x14: {  	[sflag:s12] =	ssyncadd.s32 @!p0 $0xFFFFFF00  }
0x15: {  	_ =	swait.ge @!p0 [sflag:s12], $0x700  }
0x16: {  	[sflag:s12] =	ssyncset.done @!p0 $0x0  }
0x17: {  	[sflag:s12] =	ssyncadd.s32 @!p0 $0xFFFFF900  }
0x18: {  	_ =	swait.ge @!p0 [sflag:s12], $0x800  }
0x19: {  	[sflag:s12] =	ssyncset.done @!p0 $0x0  }
0x1a: {  	[sflag:s12] =	ssyncadd.s32 @!p0 $0xFFFFF800  }
0x1b: {  	s13 =	simm.s32 $0x80;
	s14 =	simm.s32 $0x200;
	[bflag:$0x0] =	sbarrier.arrive $0xFFFF  }
0x1c: {  	[tilespmem:s14], [sflag:$0x1] =	stream.indirect.gather [spmem:s4], $0x80, s5, s13, $0xb8;
	[tilespmem:$0x10A00] =	vst v63  }
0x1d: {  	s15 =	simm.s32 $0x4200  }
0x1e: {  	[tilespmem:s15], [sflag:$0x2] =	stream.indirect.gather [spmem:s4], $0x80, s13, s13, $0xb8;
	[tilespmem:$0x10A00] =	vst v63  }
0x1f: {  	s16 =	simm.s32 $0x100;
	s17 =	simm.s32 $0x8200  }
0x20: {  	[tilespmem:s17], [sflag:$0x3] =	stream.indirect.gather [spmem:s4], $0x80, s16, s13, $0xb8;
	[tilespmem:$0x10A00] =	vst v63  }
0x21: {  	s18 =	simm.s32 $0x180;
	s19 =	simm.s32 $0xC200;
	s20 =	simm.s32 $0x1  }
0x22: {  	[tilespmem:s19], [sflag:$0x4] =	stream.indirect.gather [spmem:s4], $0x80, s18, s13, $0xb8;
	[tilespmem:$0x10A00] =	vst v63  }
0x23: {  	_ =	swait.ge [sflag:s20], $0x4000  }
0x24: {  	s22 =	sshll.u32 s22, $0x4;
	[sflag:s20] =	ssyncset.done $0x0  }
0x25: {  	s21 =	sadd.s32 s21, s22;
	s22 =	simm.s32 $0x2;
	[sflag:s20] =	ssyncadd.s32 $0xFFFFC000  }
0x26: {  	[hbm4b:s21+s5] =	stream.linear.scatter [tilespmem:s14], [sflag:$0x5], $0x4000, $0x38;
	[tilespmem:$0x10A00] =	vst v63  }
0x27: {  	_ =	swait.ge [sflag:s22], $0x4000  }
0x28: {  	[sflag:s22] =	ssyncset.done $0x0  }
0x29: {  	s24 =	simm.s32 $0x3;
	s23 =	sadd.s32 $0x800, s21;
	[sflag:s22] =	ssyncadd.s32 $0xFFFFC000  }
0x2a: {  	[hbm4b:s23+s5] =	stream.linear.scatter [tilespmem:s15], [sflag:$0x5], $0x4000, $0x38;
	[tilespmem:$0x10A00] =	vst v63  }
0x2b: {  	_ =	swait.ge [sflag:s24], $0x4000  }
0x2c: {  	[sflag:s24] =	ssyncset.done $0x0  }
0x2d: {  	s26 =	simm.s32 $0x4;
	s25 =	sadd.s32 $0x1000, s21;
	[sflag:s24] =	ssyncadd.s32 $0xFFFFC000  }
0x2e: {  	[hbm4b:s25+s5] =	stream.linear.scatter [tilespmem:s17], [sflag:$0x5], $0x4000, $0x38;
	[tilespmem:$0x10A00] =	vst v63  }
0x2f: {  	_ =	swait.ge [sflag:s26], $0x4000  }
0x30: {  	[sflag:s26] =	ssyncset.done $0x0  }
0x31: {  	s29 =	simm.s32 $0x5;
	s28 =	sadd.s32 $0x1800, s21;
	[sflag:s26] =	ssyncadd.s32 $0xFFFFC000  }
0x32: {  	[hbm4b:s28+s5] =	stream.linear.scatter [tilespmem:s19], [sflag:$0x5], $0x4000, $0x38;
	[tilespmem:$0x10A00] =	vst v63  }
0x33: {  	s30 =	ssub.s32 $0x2, s30;
	_ =	swait.ge [sflag:s29], $0x4000  }
0x34: {  	s31 =	sshrl.u32 s30, $0x1;
	[sflag:s29] =	ssyncset.done $0x0  }
0x35: {  	s30 =	ssub.s32 s30, s31;
	[sflag:s29] =	ssyncadd.s32 $0xFFFFC000  }
0x36: {  	s30 =	smax.u32 s30, $0x1;
	_ =	swait.ge [sflag:s29], $0x4000  }
0x37: {  	s30 =	sadd.s32 $0xFFFFFFFF, s30;
	[sflag:s29] =	ssyncset.done $0x0  }
0x38: {  	p1 =	sne.s32 s30, $0x0;
	[sflag:s29] =	ssyncadd.s32 $0xFFFFC000  }
.Ltmp0:
0x39: {  	_ =	swait.ge [sflag:s29], $0x4000;
	(pc) =	sbr.rel @!p1 .LBB2_2-.Ltmp0, $4  }
0x3a: {  	[sflag:s29] =	ssyncset.done $0x0  }
0x3b: {  	[sflag:s29] =	ssyncadd.s32 $0xFFFFC000  }
0x3c: {  	_ =	swait.ge [sflag:s29], $0x4000  }
0x3d: {  	[sflag:s29] =	ssyncset.done $0x0  }
.LBB2_1:
0x3e: {  	s30 =	sadd.s32 $0xFFFFFFFF, s30;
	[sflag:s29] =	ssyncadd.s32 $0xFFFFC000  }
0x3f: {  	[tilespmem:s5], [sflag:$0x7] =	stream.linear.gather [hbm4b:s6+s5], $0x200, $0x38;
	[tilespmem:$0x10A00] =	vst v63  }
0x40: {  	p1 =	sne.s32 s30, $0x0;
	_ =	swait.ge [sflag:s7], $0x200  }
0x41: {  	[sflag:s7] =	ssyncset.done $0x0  }
0x42: {  	[sflag:s7] =	ssyncadd.s32 $0xFFFFFE00  }
0x43: {  	[spmem:s8], [sflag:s11] =	dma.local @!p0 [hbm:s0], $0x100  }
0x44: {  	[spmem:s9], [sflag:s11] =	dma.local @!p0 [hbm:s1], $0x700  }
0x45: {  	[spmem:s10], [sflag:s11] =	dma.local @!p0 [hbm:s2], $0x800  }
0x46: {  	_ =	swait.ge @!p0 [sflag:s12], $0x100  }
0x47: {  	[sflag:s12] =	ssyncset.done @!p0 $0x0  }
0x48: {  	[sflag:s12] =	ssyncadd.s32 @!p0 $0xFFFFFF00  }
0x49: {  	_ =	swait.ge @!p0 [sflag:s12], $0x700  }
0x4a: {  	[sflag:s12] =	ssyncset.done @!p0 $0x0  }
0x4b: {  	[sflag:s12] =	ssyncadd.s32 @!p0 $0xFFFFF900  }
0x4c: {  	_ =	swait.ge @!p0 [sflag:s12], $0x800  }
0x4d: {  	[sflag:s12] =	ssyncset.done @!p0 $0x0  }
0x4e: {  	[sflag:s12] =	ssyncadd.s32 @!p0 $0xFFFFF800  }
0x4f: {  	[bflag:$0x0] =	sbarrier.arrive $0xFFFF  }
0x50: {  	[tilespmem:s14], [sflag:$0x1] =	stream.indirect.gather [spmem:s4], $0x80, s5, s13, $0xb8;
	[tilespmem:$0x10A00] =	vst v63  }
0x51: {  	_ = 	snop  }
0x52: {  	[tilespmem:s15], [sflag:$0x2] =	stream.indirect.gather [spmem:s4], $0x80, s13, s13, $0xb8;
	[tilespmem:$0x10A00] =	vst v63  }
0x53: {  	_ = 	snop  }
0x54: {  	[tilespmem:s17], [sflag:$0x3] =	stream.indirect.gather [spmem:s4], $0x80, s16, s13, $0xb8;
	[tilespmem:$0x10A00] =	vst v63  }
0x55: {  	_ = 	snop  }
0x56: {  	[tilespmem:s19], [sflag:$0x4] =	stream.indirect.gather [spmem:s4], $0x80, s18, s13, $0xb8;
	[tilespmem:$0x10A00] =	vst v63  }
0x57: {  	_ =	swait.ge [sflag:s20], $0x4000  }
0x58: {  	[sflag:s20] =	ssyncset.done $0x0  }
0x59: {  	[sflag:s20] =	ssyncadd.s32 $0xFFFFC000  }
0x5a: {  	[hbm4b:s21+s5] =	stream.linear.scatter [tilespmem:s14], [sflag:$0x5], $0x4000, $0x38;
	[tilespmem:$0x10A00] =	vst v63  }
0x5b: {  	_ =	swait.ge [sflag:s22], $0x4000  }
0x5c: {  	[sflag:s22] =	ssyncset.done $0x0  }
0x5d: {  	[sflag:s22] =	ssyncadd.s32 $0xFFFFC000  }
0x5e: {  	[hbm4b:s23+s5] =	stream.linear.scatter [tilespmem:s15], [sflag:$0x5], $0x4000, $0x38;
	[tilespmem:$0x10A00] =	vst v63  }
0x5f: {  	_ =	swait.ge [sflag:s24], $0x4000  }
0x60: {  	[sflag:s24] =	ssyncset.done $0x0  }
0x61: {  	[sflag:s24] =	ssyncadd.s32 $0xFFFFC000  }
0x62: {  	[hbm4b:s25+s5] =	stream.linear.scatter [tilespmem:s17], [sflag:$0x5], $0x4000, $0x38;
	[tilespmem:$0x10A00] =	vst v63  }
0x63: {  	_ =	swait.ge [sflag:s26], $0x4000  }
0x64: {  	[sflag:s26] =	ssyncset.done $0x0  }
0x65: {  	[sflag:s26] =	ssyncadd.s32 $0xFFFFC000  }
0x66: {  	[hbm4b:s28+s5] =	stream.linear.scatter [tilespmem:s19], [sflag:$0x5], $0x4000, $0x38;
	[tilespmem:$0x10A00] =	vst v63  }
0x67: {  	_ =	swait.ge [sflag:s29], $0x4000  }
0x68: {  	[sflag:s29] =	ssyncset.done $0x0  }
0x69: {  	[sflag:s29] =	ssyncadd.s32 $0xFFFFC000  }
0x6a: {  	_ =	swait.ge [sflag:s29], $0x4000  }
0x6b: {  	[sflag:s29] =	ssyncset.done $0x0  }
0x6c: {  	[sflag:s29] =	ssyncadd.s32 $0xFFFFC000  }
.Ltmp1:
0x6d: {  	_ =	swait.ge [sflag:s29], $0x4000;
	(pc) =	sbr.rel @p1 .LBB2_1-.Ltmp1, $4  }
0x6e: {  	[sflag:s29] =	ssyncset.done $0x0  }
0x6f: {  	[sflag:s29] =	ssyncadd.s32 $0xFFFFC000  }
0x70: {  	_ =	swait.ge [sflag:s29], $0x4000  }
0x71: {  	[sflag:s29] =	ssyncset.done $0x0  }
.LBB2_2:
0x72: {  	[sflag:s29] =	ssyncadd.s32 $0xFFFFC000  }
0x73: {  	_ =	sfence.sel $0x180000  }
0x74: {  	[bflag:$0x0] =	sbarrier.arrive $0xFFFF  }
0x75: {  	_ =	strace $0x90000047  }
0x76: {  	s0 =	sadd.s32 @!p0 $0x100000, s3;
	[bflag:$0x2] =	sbarrier.arrive $0xFFFF  }
0x77: {  	[sflag:s0] =	ssyncadd.tile.s32 @!p0 $0x1;
	_ =	shalt  }
.Lfunc_end2:
_tile_overlayer_lowered:
.L_overlay_start_2:
0x78: {  	(tag) =	ssettag $0x2  }
0x79: {  	s0 =	rddreg [dreg:$0x0];
	s2 =	stileid.u32  }
0x7a: {  	s1 =	rddreg [dreg:$0x1];
	p0 =	sne.s32 s2, $0x0  }
0x7b: {  	s3 =	rddreg [dreg:$0x2];
	[bflag:$0x3] =	sbarrier.arrive $0xFFFF;
	s2 =	simm.s32 @!p0 $0x1C07  }
0x7c: {  	[timem:s3], [sflag:s2] =	dma.local @!p0 [hbm:s0], s1  }
0x7d: {  	s0 =	simm.s32 @!p0 $0x7  }
0x7e: {  	_ =	swait.ge @!p0 [sflag:s0], s1  }
0x7f: {  	s1 =	ssub.s32 @!p0 $0x0, s1;
	[sflag:s0] =	ssyncset.done @!p0 $0x0  }
0x80: {  	[sflag:s0] =	ssyncadd.s32 @!p0 s1  }
0x81: {  	[bflag:$0x3] =	sbarrier.arrive $0xFFFF  }
0x82: {  	_ =	shalt  }

</sc_bundles>
